<compile_context>
chip_gen: v7x
topology: tpu7x:2x2x1
jax: 0.10.2.dev20260603
libtpu: 0.0.44.dev20260713+nightly
codegen_flags: <defaults>
</compile_context>

<pallas_src>
import numpy as np

import jax
import jax.numpy as jnp
from jax.experimental import pallas as pl

_BB = 16

_C1W, _C2W, _G1W, _G2W, _FCW = 0, 720, 3280, 5328, 9424
_B1, _B2, _G1B, _G2B, _FCB, _ZERO = 13520, 13536, 13568, 13632, 13696, 13760


def _param_index() -> np.ndarray:
    idx = np.full((64, 1280), _ZERO, np.int64)
    for p_out in range(4):
        for k in range(5):
            r = p_out + k - 2
            cols = (r // 4 + 1) * 36 + np.arange(9) * 4 + r % 4
            rows = np.arange(16) + 16 * p_out
            idx[rows[:, None], cols[None, :]] = _C1W + (
                (np.arange(16)[:, None] * 9 + np.arange(9)[None, :]) * 5 + k)
    for j in range(2):
        for k in range(5):
            r = j + k - 2
            cols = 128 + (r // 2 + 1) * 32 + (r % 2) * 16 + np.arange(16)
            rows = np.arange(32) + 32 * j
            idx[rows[:, None], cols[None, :]] = _C2W + (
                (np.arange(32)[:, None] * 16 + np.arange(16)[None, :]) * 5 + k)
    idx[:, 256:288] = _G1W + np.arange(32)[None, :] * 64 + np.arange(64)[:, None]
    idx[:, 384:448] = _G2W + np.arange(64)[None, :] * 64 + np.arange(64)[:, None]
    idx[:, 512:576] = _FCW + np.arange(64)[None, :] * 64 + np.arange(64)[:, None]
    idx[:, 640] = _B1 + np.arange(64) % 16
    idx[:, 768] = _B2 + np.arange(64) % 32
    idx[:, 896] = _G1B + np.arange(64)
    idx[:, 1024] = _G2B + np.arange(64)
    idx[:, 1152] = _FCB + np.arange(64)
    return idx


_PIDX = _param_index()


def _fused_kernel(x_ref, wp_ref, out_ref):
    tq = x_ref.shape[1]
    bb = out_ref.shape[0]
    lb = bb * tq

    wp = wp_ref[...]
    w1b, w2b = wp[:, 0:108], wp[:, 128:224]
    g1w, g2w, fcw = wp[:, 256:288], wp[:, 384:448], wp[:, 512:576]
    b1, b2 = wp[:, 640:641], wp[:, 768:769]
    g1b, g2b, fcb = wp[:, 896:897], wp[:, 1024:1025], wp[:, 1152:1153]

    li = jax.lax.broadcasted_iota(jnp.int32, (1, lb), 1) % tq
    first = li == 0
    last = li == tq - 1

    def shifts(a):
        z = jnp.zeros_like(a[:, :1])
        plus = jnp.where(last, 0.0, jnp.concatenate([a[:, 1:], z], 1))
        minus = jnp.where(first, 0.0, jnp.concatenate([z, a[:, :-1]], 1))
        return minus, plus

    def mm(a, b):
        return jax.lax.dot_general(a, b, (((1,), (0,)), ((), ())),
                                   preferred_element_type=jnp.float32)

    xr = x_ref[...]
    nrow = xr.shape[0] // bb
    xb = jnp.concatenate(
        [xr[s * nrow:(s + 1) * nrow, :] for s in range(bb)], axis=1)

    m1, p1 = shifts(xb)
    h = jnp.maximum(mm(w1b, jnp.concatenate([m1, xb, p1], 0)) + b1, 0.0)
    pe = jnp.maximum(h[0:16], h[16:32])
    po = jnp.maximum(h[32:48], h[48:64])
    h1 = jnp.concatenate([pe, po], axis=0)

    m2, p2 = shifts(h1)
    h = jnp.maximum(mm(w2b, jnp.concatenate([m2, h1, p2], 0)) + b2, 0.0)
    nodes = jnp.maximum(h[0:32], h[32:64])

    dinv = jnp.where(first | last, jax.lax.rsqrt(2.0), jax.lax.rsqrt(3.0))

    def gcn(n, w, b):
        g = mm(w, n) * dinv
        gm, gp = shifts(g)
        return jnp.maximum((g + gm + gp) * dinv + b, 0.0)

    nodes = gcn(nodes, g1w, g1b)
    nodes = gcn(nodes, g2w, g2b)

    pooled = jnp.sum(nodes.reshape(64, lb // tq, tq), axis=2) * (1.0 / tq)
    out = mm(fcw, pooled) + fcb
    out_ref[...] = out.T


@jax.jit
def kernel(x, conv1_w, conv1_b, conv2_w, conv2_b, gcn1_w, gcn1_b, gcn2_w,
           gcn2_b, fc_w, fc_b):
    b, c_in, t_in = x.shape
    tq = t_in // 4
    out_f = fc_w.shape[1]

    xr = x.reshape(b, c_in, tq, 4).transpose(0, 1, 3, 2).reshape(
        b * c_in * 4, tq)

    flat = jnp.concatenate([
        conv1_w.reshape(-1), conv2_w.reshape(-1), gcn1_w.reshape(-1),
        gcn2_w.reshape(-1), fc_w.reshape(-1), conv1_b, conv2_b, gcn1_b,
        gcn2_b, fc_b, jnp.zeros(1, jnp.float32)])
    wpack = flat[_PIDX]

    return pl.pallas_call(
        _fused_kernel,
        grid=(b // _BB,),
        in_specs=[pl.BlockSpec((_BB * c_in * 4, tq), lambda i: (i, 0)),
                  pl.BlockSpec(wpack.shape, lambda i: (0, 0))],
        out_specs=pl.BlockSpec((_BB, out_f), lambda i: (i, 0)),
        out_shape=jax.ShapeDtypeStruct((b, out_f), x.dtype),
    )(xr, wpack)

# --- scband reference (transcript-rebuilt; emitter-appended) ---
"""Pipeline reference for scband-temporal-gcn-86526411145513 (READ-ONLY COPY).

The authoritative reference and input builder live on the scoring server;
editing this copy changes nothing except your own understanding.
"""

import jax, jax.numpy as jnp
import numpy as np

B, C_IN, T_IN = 2048, 9, 1024
HIDDEN, OUT = 64, 64


def _conv1d(x, w, b, pad):
    out = jax.lax.conv_general_dilated(x, w, window_strides=(1,), padding=[(pad, pad)], dimension_numbers=('NCH', 'OIH', 'NCH'))
    return out + b[None, :, None]


def _maxpool2(x):
    return jax.lax.reduce_window(x, -jnp.inf, jax.lax.max, (1, 1, 2), (1, 1, 2), 'VALID')


def _chain_edges(T):
    # temporal chain graph fallback: bidirectional i<->i+1
    i = np.arange(T - 1)
    src = np.concatenate([i, i + 1])
    dst = np.concatenate([i + 1, i])
    return jnp.asarray(src, dtype=jnp.int32), jnp.asarray(dst, dtype=jnp.int32)


def _gcn_conv(x, src, dst, W, b, N):
    # PyG GCNConv: add self-loops, symmetric normalization, sum aggregation
    loop = jnp.arange(N, dtype=src.dtype)
    s = jnp.concatenate([src, loop])
    d = jnp.concatenate([dst, loop])
    deg = jnp.zeros((N,), x.dtype).at[d].add(1.0)
    dinv = jnp.where(deg > 0, jax.lax.rsqrt(deg), 0.0)
    norm = dinv[s] * dinv[d]
    h = x @ W
    out = jnp.zeros((N, W.shape[1]), x.dtype).at[d].add(h[s] * norm[:, None])
    return out + b


def setup_inputs(seed: int = 0) -> dict:
    key = jax.random.key(seed)
    ks = jax.random.split(key, 8)
    inp = {}
    inp['x'] = jax.random.normal(ks[0], (B, C_IN, T_IN), dtype=jnp.float32)
    inp['conv1_w'] = jax.random.normal(ks[1], (16, C_IN, 5), dtype=jnp.float32) * 0.1
    inp['conv1_b'] = jnp.zeros((16,), jnp.float32)
    inp['conv2_w'] = jax.random.normal(ks[2], (32, 16, 5), dtype=jnp.float32) * 0.1
    inp['conv2_b'] = jnp.zeros((32,), jnp.float32)
    inp['gcn1_w'] = jax.random.normal(ks[3], (32, HIDDEN), dtype=jnp.float32) * 0.1
    inp['gcn1_b'] = jnp.zeros((HIDDEN,), jnp.float32)
    inp['gcn2_w'] = jax.random.normal(ks[4], (HIDDEN, HIDDEN), dtype=jnp.float32) * 0.1
    inp['gcn2_b'] = jnp.zeros((HIDDEN,), jnp.float32)
    inp['fc_w'] = jax.random.normal(ks[5], (HIDDEN, OUT), dtype=jnp.float32) * 0.1
    inp['fc_b'] = jnp.zeros((OUT,), jnp.float32)
    return inp


def reference(x, conv1_w, conv1_b, conv2_w, conv2_b, gcn1_w, gcn1_b, gcn2_w, gcn2_b, fc_w, fc_b):
    b, c, t = x.shape
    h = jax.nn.relu(_conv1d(x, conv1_w, conv1_b, 2))
    h = _maxpool2(h)
    h = jax.nn.relu(_conv1d(h, conv2_w, conv2_b, 2))
    h = _maxpool2(h)
    T = h.shape[2]
    h = jnp.transpose(h, (0, 2, 1)).reshape(b * T, -1)
    src0, dst0 = _chain_edges(T)
    offsets = (jnp.arange(b, dtype=jnp.int32) * T)[:, None]
    src = (src0[None, :] + offsets).reshape(-1)
    dst = (dst0[None, :] + offsets).reshape(-1)
    N = b * T
    h = jax.nn.relu(_gcn_conv(h, src, dst, gcn1_w, gcn1_b, N))
    h = jax.nn.relu(_gcn_conv(h, src, dst, gcn2_w, gcn2_b, N))
    h = h.reshape(b, T, -1)
    h = jnp.mean(h, axis=1)
    return h @ fc_w + fc_b

if __name__ == "__main__":
    import jax
    _d = setup_inputs()
    print(jax.jit(kernel)(*tuple(_d.values())))

</pallas_src>

<mosaic_0001>
module attributes {stable_mosaic.version = 14 : i64} {
  func.func @_fused_kernel(%arg0: i32, %arg1: memref<576x256xf32, #tpu.memory_space<vmem>>, %arg2: memref<64x1280xf32, #tpu.memory_space<vmem>>, %arg3: memref<16x64xf32, #tpu.memory_space<vmem>>) attributes {dimension_semantics = [#tpu.dimension_semantics<arbitrary>], iteration_bounds = array<i64: 128>, scalar_prefetch = 0 : i64, scratch_operands = 0 : i64, tpu.core_type = #tpu.core_type<tc>, window_params = [{transform_indices = @transform_0, window_bounds = array<i64: 576, 256>}, {pipeline_mode = #tpu.pipeline_mode<synchronous>, transform_indices = @transform_1, window_bounds = array<i64: 64, 1280>}, {transform_indices = @transform_2, window_bounds = array<i64: 16, 64>}]} {
    %get3A = arith.constant 0 : index
    %get3A_0 = arith.constant 0 : index
    %get3A_1 = vector.load %arg2[%get3A, %get3A_0] : memref<64x1280xf32, #tpu.memory_space<vmem>>, vector<64x1280xf32>
    %slice3A = vector.extract_strided_slice %get3A_1 {offsets = [0, 0], sizes = [64, 108], strides = [1, 1]} : vector<64x1280xf32> to vector<64x108xf32>
    %slice3A_2 = vector.extract_strided_slice %get3A_1 {offsets = [0, 128], sizes = [64, 96], strides = [1, 1]} : vector<64x1280xf32> to vector<64x96xf32>
    %slice3A_3 = vector.extract_strided_slice %get3A_1 {offsets = [0, 256], sizes = [64, 32], strides = [1, 1]} : vector<64x1280xf32> to vector<64x32xf32>
    %slice3A_4 = vector.extract_strided_slice %get3A_1 {offsets = [0, 384], sizes = [64, 64], strides = [1, 1]} : vector<64x1280xf32> to vector<64x64xf32>
    %slice3A_5 = vector.extract_strided_slice %get3A_1 {offsets = [0, 512], sizes = [64, 64], strides = [1, 1]} : vector<64x1280xf32> to vector<64x64xf32>
    %slice3A_6 = vector.extract_strided_slice %get3A_1 {offsets = [0, 640], sizes = [64, 1], strides = [1, 1]} : vector<64x1280xf32> to vector<64x1xf32>
    %slice3A_7 = vector.extract_strided_slice %get3A_1 {offsets = [0, 768], sizes = [64, 1], strides = [1, 1]} : vector<64x1280xf32> to vector<64x1xf32>
    %slice3A_8 = vector.extract_strided_slice %get3A_1 {offsets = [0, 896], sizes = [64, 1], strides = [1, 1]} : vector<64x1280xf32> to vector<64x1xf32>
    %slice3A_9 = vector.extract_strided_slice %get3A_1 {offsets = [0, 1024], sizes = [64, 1], strides = [1, 1]} : vector<64x1280xf32> to vector<64x1xf32>
    %slice3A_10 = vector.extract_strided_slice %get3A_1 {offsets = [0, 1152], sizes = [64, 1], strides = [1, 1]} : vector<64x1280xf32> to vector<64x1xf32>
    %iota3A = tpu.iota {dimensions = array<i32: 1>} : vector<1x4096xi32>
    %jit3A = arith.constant 256 : i32
    %eq3A = arith.constant 0 : i32
    %eq3A_11 = arith.cmpi eq, %jit3A, %eq3A : i32
    %jit3A_12 = arith.constant 1 : i32
    %select_n3A = arith.select %eq3A_11, %jit3A_12, %jit3A : i32
    %rem3A = vector.broadcast %select_n3A : i32 to vector<1x4096xi32>
    %rem3A_13 = arith.remsi %iota3A, %rem3A : vector<1x4096xi32>
    %ne3A = arith.constant 0 : i32
    %ne3A_14 = vector.broadcast %ne3A : i32 to vector<1x4096xi32>
    %ne3A_15 = arith.cmpi ne, %rem3A_13, %ne3A_14 : vector<1x4096xi32>
    %lt3A = arith.constant 0 : i32
    %lt3A_16 = vector.broadcast %lt3A : i32 to vector<1x4096xi32>
    %lt3A_17 = arith.cmpi slt, %rem3A_13, %lt3A_16 : vector<1x4096xi32>
    %lt3A_18 = arith.constant 0 : i32
    %lt3A_19 = arith.cmpi slt, %select_n3A, %lt3A_18 : i32
    %ne3A_20 = vector.broadcast %lt3A_19 : i1 to vector<1x4096xi1>
    %ne3A_21 = vector.broadcast %ne3A_20 : vector<1x4096xi1> to vector<1x4096xi1>
    %ne3A_22 = arith.xori %lt3A_17, %ne3A_21 : vector<1x4096xi1>
    %and3A = arith.andi %ne3A_22, %ne3A_15 : vector<1x4096xi1>
    %add3A = vector.broadcast %select_n3A : i32 to vector<1x4096xi32>
    %add3A_23 = arith.addi %rem3A_13, %add3A : vector<1x4096xi32>
    %select_n3A_24 = arith.select %and3A, %add3A_23, %rem3A_13 : vector<1x4096xi1>, vector<1x4096xi32>
    %eq3A_25 = arith.constant 0 : i32
    %eq3A_26 = vector.broadcast %eq3A_25 : i32 to vector<1x4096xi32>
    %eq3A_27 = arith.cmpi eq, %select_n3A_24, %eq3A_26 : vector<1x4096xi32>
    %eq3A_28 = arith.constant 255 : i32
    %eq3A_29 = vector.broadcast %eq3A_28 : i32 to vector<1x4096xi32>
    %eq3A_30 = arith.cmpi eq, %select_n3A_24, %eq3A_29 : vector<1x4096xi32>
    %get3A_31 = arith.constant 0 : index
    %get3A_32 = arith.constant 0 : index
    %get3A_33 = vector.load %arg1[%get3A_31, %get3A_32] : memref<576x256xf32, #tpu.memory_space<vmem>>, vector<576x256xf32>
    %slice3A_34 = vector.extract_strided_slice %get3A_33 {offsets = [0, 0], sizes = [36, 256], strides = [1, 1]} : vector<576x256xf32> to vector<36x256xf32>
    %slice3A_35 = vector.extract_strided_slice %get3A_33 {offsets = [36, 0], sizes = [36, 256], strides = [1, 1]} : vector<576x256xf32> to vector<36x256xf32>
    %slice3A_36 = vector.extract_strided_slice %get3A_33 {offsets = [72, 0], sizes = [36, 256], strides = [1, 1]} : vector<576x256xf32> to vector<36x256xf32>
    %slice3A_37 = vector.extract_strided_slice %get3A_33 {offsets = [108, 0], sizes = [36, 256], strides = [1, 1]} : vector<576x256xf32> to vector<36x256xf32>
    %slice3A_38 = vector.extract_strided_slice %get3A_33 {offsets = [144, 0], sizes = [36, 256], strides = [1, 1]} : vector<576x256xf32> to vector<36x256xf32>
    %slice3A_39 = vector.extract_strided_slice %get3A_33 {offsets = [180, 0], sizes = [36, 256], strides = [1, 1]} : vector<576x256xf32> to vector<36x256xf32>
    %slice3A_40 = vector.extract_strided_slice %get3A_33 {offsets = [216, 0], sizes = [36, 256], strides = [1, 1]} : vector<576x256xf32> to vector<36x256xf32>
    %slice3A_41 = vector.extract_strided_slice %get3A_33 {offsets = [252, 0], sizes = [36, 256], strides = [1, 1]} : vector<576x256xf32> to vector<36x256xf32>
    %slice3A_42 = vector.extract_strided_slice %get3A_33 {offsets = [288, 0], sizes = [36, 256], strides = [1, 1]} : vector<576x256xf32> to vector<36x256xf32>
    %slice3A_43 = vector.extract_strided_slice %get3A_33 {offsets = [324, 0], sizes = [36, 256], strides = [1, 1]} : vector<576x256xf32> to vector<36x256xf32>
    %slice3A_44 = vector.extract_strided_slice %get3A_33 {offsets = [360, 0], sizes = [36, 256], strides = [1, 1]} : vector<576x256xf32> to vector<36x256xf32>
    %slice3A_45 = vector.extract_strided_slice %get3A_33 {offsets = [396, 0], sizes = [36, 256], strides = [1, 1]} : vector<576x256xf32> to vector<36x256xf32>
    %slice3A_46 = vector.extract_strided_slice %get3A_33 {offsets = [432, 0], sizes = [36, 256], strides = [1, 1]} : vector<576x256xf32> to vector<36x256xf32>
    %slice3A_47 = vector.extract_strided_slice %get3A_33 {offsets = [468, 0], sizes = [36, 256], strides = [1, 1]} : vector<576x256xf32> to vector<36x256xf32>
    %slice3A_48 = vector.extract_strided_slice %get3A_33 {offsets = [504, 0], sizes = [36, 256], strides = [1, 1]} : vector<576x256xf32> to vector<36x256xf32>
    %slice3A_49 = vector.extract_strided_slice %get3A_33 {offsets = [540, 0], sizes = [36, 256], strides = [1, 1]} : vector<576x256xf32> to vector<36x256xf32>
    %concatenate3A = tpu.concatenate %slice3A_34, %slice3A_35, %slice3A_36, %slice3A_37, %slice3A_38, %slice3A_39, %slice3A_40, %slice3A_41, %slice3A_42, %slice3A_43, %slice3A_44, %slice3A_45, %slice3A_46, %slice3A_47, %slice3A_48, %slice3A_49 in 1 : vector<36x256xf32>, vector<36x256xf32>, vector<36x256xf32>, vector<36x256xf32>, vector<36x256xf32>, vector<36x256xf32>, vector<36x256xf32>, vector<36x256xf32>, vector<36x256xf32>, vector<36x256xf32>, vector<36x256xf32>, vector<36x256xf32>, vector<36x256xf32>, vector<36x256xf32>, vector<36x256xf32>, vector<36x256xf32> -> vector<36x4096xf32>
    %broadcast_in_dim3A = arith.constant 0.000000e+00 : f32
    %broadcast_in_dim3A_50 = vector.broadcast %broadcast_in_dim3A : f32 to vector<36x1xf32>
    %slice3A_51 = vector.extract_strided_slice %concatenate3A {offsets = [0, 1], sizes = [36, 4095], strides = [1, 1]} : vector<36x4096xf32> to vector<36x4095xf32>
    %concatenate3A_52 = tpu.concatenate %slice3A_51, %broadcast_in_dim3A_50 in 1 : vector<36x4095xf32>, vector<36x1xf32> -> vector<36x4096xf32>
    %jit3A_53 = arith.constant 0.000000e+00 : f32
    %broadcast_in_dim3A_54 = vector.shape_cast %eq3A_30 : vector<1x4096xi1> to vector<1x4096xi1>
    %broadcast_in_dim3A_55 = vector.broadcast %broadcast_in_dim3A_54 : vector<1x4096xi1> to vector<36x4096xi1>
    %broadcast_in_dim3A_56 = vector.broadcast %jit3A_53 : f32 to vector<36x4096xf32>
    %select_n3A_57 = arith.select %broadcast_in_dim3A_55, %broadcast_in_dim3A_56, %concatenate3A_52 : vector<36x4096xi1>, vector<36x4096xf32>
    %slice3A_58 = vector.extract_strided_slice %concatenate3A {offsets = [0, 0], sizes = [36, 4095], strides = [1, 1]} : vector<36x4096xf32> to vector<36x4095xf32>
    %concatenate3A_59 = tpu.concatenate %broadcast_in_dim3A_50, %slice3A_58 in 1 : vector<36x1xf32>, vector<36x4095xf32> -> vector<36x4096xf32>
    %jit3A_60 = arith.constant 0.000000e+00 : f32
    %broadcast_in_dim3A_61 = vector.shape_cast %eq3A_27 : vector<1x4096xi1> to vector<1x4096xi1>
    %broadcast_in_dim3A_62 = vector.broadcast %broadcast_in_dim3A_61 : vector<1x4096xi1> to vector<36x4096xi1>
    %broadcast_in_dim3A_63 = vector.broadcast %jit3A_60 : f32 to vector<36x4096xf32>
    %select_n3A_64 = arith.select %broadcast_in_dim3A_62, %broadcast_in_dim3A_63, %concatenate3A_59 : vector<36x4096xi1>, vector<36x4096xf32>
    %concatenate3A_65 = tpu.concatenate %select_n3A_64, %concatenate3A, %select_n3A_57 in 0 : vector<36x4096xf32>, vector<36x4096xf32>, vector<36x4096xf32> -> vector<108x4096xf32>
    %dot_general3A = arith.constant dense<0.000000e+00> : vector<64x4096xf32>
    %dot_general3A_66 = tpu.matmul %slice3A, %concatenate3A_65, %dot_general3A {dimension_numbers = #tpu.dot_dimension_numbers<[1], [0], [0], [1], [0, 0, 1, 1], [], []>, transpose_lhs_hint = false} : vector<64x108xf32>, vector<108x4096xf32>, vector<64x4096xf32> -> vector<64x4096xf32>
    %add3A_67 = vector.broadcast %slice3A_6 : vector<64x1xf32> to vector<64x4096xf32>
    %add3A_68 = arith.addf %dot_general3A_66, %add3A_67 : vector<64x4096xf32>
    %max3A = arith.constant 0.000000e+00 : f32
    %max3A_69 = vector.broadcast %max3A : f32 to vector<64x4096xf32>
    %max3A_70 = arith.maximumf %add3A_68, %max3A_69 : vector<64x4096xf32>
    %slice3A_71 = vector.extract_strided_slice %max3A_70 {offsets = [0, 0], sizes = [16, 4096], strides = [1, 1]} : vector<64x4096xf32> to vector<16x4096xf32>
    %slice3A_72 = vector.extract_strided_slice %max3A_70 {offsets = [16, 0], sizes = [16, 4096], strides = [1, 1]} : vector<64x4096xf32> to vector<16x4096xf32>
    %max3A_73 = arith.maximumf %slice3A_71, %slice3A_72 : vector<16x4096xf32>
    %slice3A_74 = vector.extract_strided_slice %max3A_70 {offsets = [32, 0], sizes = [16, 4096], strides = [1, 1]} : vector<64x4096xf32> to vector<16x4096xf32>
    %slice3A_75 = vector.extract_strided_slice %max3A_70 {offsets = [48, 0], sizes = [16, 4096], strides = [1, 1]} : vector<64x4096xf32> to vector<16x4096xf32>
    %max3A_76 = arith.maximumf %slice3A_74, %slice3A_75 : vector<16x4096xf32>
    %concatenate3A_77 = tpu.concatenate %max3A_73, %max3A_76 in 0 : vector<16x4096xf32>, vector<16x4096xf32> -> vector<32x4096xf32>
    %broadcast_in_dim3A_78 = arith.constant 0.000000e+00 : f32
    %broadcast_in_dim3A_79 = vector.broadcast %broadcast_in_dim3A_78 : f32 to vector<32x1xf32>
    %slice3A_80 = vector.extract_strided_slice %concatenate3A_77 {offsets = [0, 1], sizes = [32, 4095], strides = [1, 1]} : vector<32x4096xf32> to vector<32x4095xf32>
    %concatenate3A_81 = tpu.concatenate %slice3A_80, %broadcast_in_dim3A_79 in 1 : vector<32x4095xf32>, vector<32x1xf32> -> vector<32x4096xf32>
    %jit3A_82 = arith.constant 0.000000e+00 : f32
    %broadcast_in_dim3A_83 = vector.shape_cast %eq3A_30 : vector<1x4096xi1> to vector<1x4096xi1>
    %broadcast_in_dim3A_84 = vector.broadcast %broadcast_in_dim3A_83 : vector<1x4096xi1> to vector<32x4096xi1>
    %broadcast_in_dim3A_85 = vector.broadcast %jit3A_82 : f32 to vector<32x4096xf32>
    %select_n3A_86 = arith.select %broadcast_in_dim3A_84, %broadcast_in_dim3A_85, %concatenate3A_81 : vector<32x4096xi1>, vector<32x4096xf32>
    %slice3A_87 = vector.extract_strided_slice %concatenate3A_77 {offsets = [0, 0], sizes = [32, 4095], strides = [1, 1]} : vector<32x4096xf32> to vector<32x4095xf32>
    %concatenate3A_88 = tpu.concatenate %broadcast_in_dim3A_79, %slice3A_87 in 1 : vector<32x1xf32>, vector<32x4095xf32> -> vector<32x4096xf32>
    %jit3A_89 = arith.constant 0.000000e+00 : f32
    %broadcast_in_dim3A_90 = vector.shape_cast %eq3A_27 : vector<1x4096xi1> to vector<1x4096xi1>
    %broadcast_in_dim3A_91 = vector.broadcast %broadcast_in_dim3A_90 : vector<1x4096xi1> to vector<32x4096xi1>
    %broadcast_in_dim3A_92 = vector.broadcast %jit3A_89 : f32 to vector<32x4096xf32>
    %select_n3A_93 = arith.select %broadcast_in_dim3A_91, %broadcast_in_dim3A_92, %concatenate3A_88 : vector<32x4096xi1>, vector<32x4096xf32>
    %concatenate3A_94 = tpu.concatenate %select_n3A_93, %concatenate3A_77, %select_n3A_86 in 0 : vector<32x4096xf32>, vector<32x4096xf32>, vector<32x4096xf32> -> vector<96x4096xf32>
    %dot_general3A_95 = arith.constant dense<0.000000e+00> : vector<64x4096xf32>
    %dot_general3A_96 = tpu.matmul %slice3A_2, %concatenate3A_94, %dot_general3A_95 {dimension_numbers = #tpu.dot_dimension_numbers<[1], [0], [0], [1], [0, 0, 1, 1], [], []>, transpose_lhs_hint = false} : vector<64x96xf32>, vector<96x4096xf32>, vector<64x4096xf32> -> vector<64x4096xf32>
    %add3A_97 = vector.broadcast %slice3A_7 : vector<64x1xf32> to vector<64x4096xf32>
    %add3A_98 = arith.addf %dot_general3A_96, %add3A_97 : vector<64x4096xf32>
    %max3A_99 = arith.constant 0.000000e+00 : f32
    %max3A_100 = vector.broadcast %max3A_99 : f32 to vector<64x4096xf32>
    %max3A_101 = arith.maximumf %add3A_98, %max3A_100 : vector<64x4096xf32>
    %slice3A_102 = vector.extract_strided_slice %max3A_101 {offsets = [0, 0], sizes = [32, 4096], strides = [1, 1]} : vector<64x4096xf32> to vector<32x4096xf32>
    %slice3A_103 = vector.extract_strided_slice %max3A_101 {offsets = [32, 0], sizes = [32, 4096], strides = [1, 1]} : vector<64x4096xf32> to vector<32x4096xf32>
    %max3A_104 = arith.maximumf %slice3A_102, %slice3A_103 : vector<32x4096xf32>
    %or3A = arith.ori %eq3A_27, %eq3A_30 : vector<1x4096xi1>
    %rsqrt3A = arith.constant 2.000000e+00 : f32
    %rsqrt3A_105 = math.rsqrt %rsqrt3A : f32
    %rsqrt3A_106 = arith.constant 3.000000e+00 : f32
    %rsqrt3A_107 = math.rsqrt %rsqrt3A_106 : f32
    %broadcast_in_dim3A_108 = vector.broadcast %rsqrt3A_105 : f32 to vector<1x4096xf32>
    %broadcast_in_dim3A_109 = vector.broadcast %rsqrt3A_107 : f32 to vector<1x4096xf32>
    %select_n3A_110 = arith.select %or3A, %broadcast_in_dim3A_108, %broadcast_in_dim3A_109 : vector<1x4096xi1>, vector<1x4096xf32>
    %dot_general3A_111 = arith.constant dense<0.000000e+00> : vector<64x4096xf32>
    %dot_general3A_112 = tpu.matmul %slice3A_3, %max3A_104, %dot_general3A_111 {dimension_numbers = #tpu.dot_dimension_numbers<[1], [0], [0], [1], [0, 0, 1, 1], [], []>, transpose_lhs_hint = false} : vector<64x32xf32>, vector<32x4096xf32>, vector<64x4096xf32> -> vector<64x4096xf32>
    %mul3A = vector.broadcast %select_n3A_110 : vector<1x4096xf32> to vector<64x4096xf32>
    %mul3A_113 = arith.mulf %dot_general3A_112, %mul3A : vector<64x4096xf32>
    %broadcast_in_dim3A_114 = arith.constant 0.000000e+00 : f32
    %broadcast_in_dim3A_115 = vector.broadcast %broadcast_in_dim3A_114 : f32 to vector<64x1xf32>
    %slice3A_116 = vector.extract_strided_slice %mul3A_113 {offsets = [0, 1], sizes = [64, 4095], strides = [1, 1]} : vector<64x4096xf32> to vector<64x4095xf32>
    %concatenate3A_117 = tpu.concatenate %slice3A_116, %broadcast_in_dim3A_115 in 1 : vector<64x4095xf32>, vector<64x1xf32> -> vector<64x4096xf32>
    %jit3A_118 = arith.constant 0.000000e+00 : f32
    %broadcast_in_dim3A_119 = vector.shape_cast %eq3A_30 : vector<1x4096xi1> to vector<1x4096xi1>
    %broadcast_in_dim3A_120 = vector.broadcast %broadcast_in_dim3A_119 : vector<1x4096xi1> to vector<64x4096xi1>
    %broadcast_in_dim3A_121 = vector.broadcast %jit3A_118 : f32 to vector<64x4096xf32>
    %select_n3A_122 = arith.select %broadcast_in_dim3A_120, %broadcast_in_dim3A_121, %concatenate3A_117 : vector<64x4096xi1>, vector<64x4096xf32>
    %slice3A_123 = vector.extract_strided_slice %mul3A_113 {offsets = [0, 0], sizes = [64, 4095], strides = [1, 1]} : vector<64x4096xf32> to vector<64x4095xf32>
    %concatenate3A_124 = tpu.concatenate %broadcast_in_dim3A_115, %slice3A_123 in 1 : vector<64x1xf32>, vector<64x4095xf32> -> vector<64x4096xf32>
    %jit3A_125 = arith.constant 0.000000e+00 : f32
    %broadcast_in_dim3A_126 = vector.shape_cast %eq3A_27 : vector<1x4096xi1> to vector<1x4096xi1>
    %broadcast_in_dim3A_127 = vector.broadcast %broadcast_in_dim3A_126 : vector<1x4096xi1> to vector<64x4096xi1>
    %broadcast_in_dim3A_128 = vector.broadcast %jit3A_125 : f32 to vector<64x4096xf32>
    %select_n3A_129 = arith.select %broadcast_in_dim3A_127, %broadcast_in_dim3A_128, %concatenate3A_124 : vector<64x4096xi1>, vector<64x4096xf32>
    %add3A_130 = arith.addf %mul3A_113, %select_n3A_129 : vector<64x4096xf32>
    %add3A_131 = arith.addf %add3A_130, %select_n3A_122 : vector<64x4096xf32>
    %mul3A_132 = vector.broadcast %select_n3A_110 : vector<1x4096xf32> to vector<64x4096xf32>
    %mul3A_133 = arith.mulf %add3A_131, %mul3A_132 : vector<64x4096xf32>
    %add3A_134 = vector.broadcast %slice3A_8 : vector<64x1xf32> to vector<64x4096xf32>
    %add3A_135 = arith.addf %mul3A_133, %add3A_134 : vector<64x4096xf32>
    %max3A_136 = arith.constant 0.000000e+00 : f32
    %max3A_137 = vector.broadcast %max3A_136 : f32 to vector<64x4096xf32>
    %max3A_138 = arith.maximumf %add3A_135, %max3A_137 : vector<64x4096xf32>
    %dot_general3A_139 = arith.constant dense<0.000000e+00> : vector<64x4096xf32>
    %dot_general3A_140 = tpu.matmul %slice3A_4, %max3A_138, %dot_general3A_139 {dimension_numbers = #tpu.dot_dimension_numbers<[1], [0], [0], [1], [0, 0, 1, 1], [], []>, transpose_lhs_hint = false} : vector<64x64xf32>, vector<64x4096xf32>, vector<64x4096xf32> -> vector<64x4096xf32>
    %mul3A_141 = vector.broadcast %select_n3A_110 : vector<1x4096xf32> to vector<64x4096xf32>
    %mul3A_142 = arith.mulf %dot_general3A_140, %mul3A_141 : vector<64x4096xf32>
    %broadcast_in_dim3A_143 = arith.constant 0.000000e+00 : f32
    %broadcast_in_dim3A_144 = vector.broadcast %broadcast_in_dim3A_143 : f32 to vector<64x1xf32>
    %slice3A_145 = vector.extract_strided_slice %mul3A_142 {offsets = [0, 1], sizes = [64, 4095], strides = [1, 1]} : vector<64x4096xf32> to vector<64x4095xf32>
    %concatenate3A_146 = tpu.concatenate %slice3A_145, %broadcast_in_dim3A_144 in 1 : vector<64x4095xf32>, vector<64x1xf32> -> vector<64x4096xf32>
    %jit3A_147 = arith.constant 0.000000e+00 : f32
    %broadcast_in_dim3A_148 = vector.shape_cast %eq3A_30 : vector<1x4096xi1> to vector<1x4096xi1>
    %broadcast_in_dim3A_149 = vector.broadcast %broadcast_in_dim3A_148 : vector<1x4096xi1> to vector<64x4096xi1>
    %broadcast_in_dim3A_150 = vector.broadcast %jit3A_147 : f32 to vector<64x4096xf32>
    %select_n3A_151 = arith.select %broadcast_in_dim3A_149, %broadcast_in_dim3A_150, %concatenate3A_146 : vector<64x4096xi1>, vector<64x4096xf32>
    %slice3A_152 = vector.extract_strided_slice %mul3A_142 {offsets = [0, 0], sizes = [64, 4095], strides = [1, 1]} : vector<64x4096xf32> to vector<64x4095xf32>
    %concatenate3A_153 = tpu.concatenate %broadcast_in_dim3A_144, %slice3A_152 in 1 : vector<64x1xf32>, vector<64x4095xf32> -> vector<64x4096xf32>
    %jit3A_154 = arith.constant 0.000000e+00 : f32
    %broadcast_in_dim3A_155 = vector.shape_cast %eq3A_27 : vector<1x4096xi1> to vector<1x4096xi1>
    %broadcast_in_dim3A_156 = vector.broadcast %broadcast_in_dim3A_155 : vector<1x4096xi1> to vector<64x4096xi1>
    %broadcast_in_dim3A_157 = vector.broadcast %jit3A_154 : f32 to vector<64x4096xf32>
    %select_n3A_158 = arith.select %broadcast_in_dim3A_156, %broadcast_in_dim3A_157, %concatenate3A_153 : vector<64x4096xi1>, vector<64x4096xf32>
    %add3A_159 = arith.addf %mul3A_142, %select_n3A_158 : vector<64x4096xf32>
    %add3A_160 = arith.addf %add3A_159, %select_n3A_151 : vector<64x4096xf32>
    %mul3A_161 = vector.broadcast %select_n3A_110 : vector<1x4096xf32> to vector<64x4096xf32>
    %mul3A_162 = arith.mulf %add3A_160, %mul3A_161 : vector<64x4096xf32>
    %add3A_163 = vector.broadcast %slice3A_9 : vector<64x1xf32> to vector<64x4096xf32>
    %add3A_164 = arith.addf %mul3A_162, %add3A_163 : vector<64x4096xf32>
    %max3A_165 = arith.constant 0.000000e+00 : f32
    %max3A_166 = vector.broadcast %max3A_165 : f32 to vector<64x4096xf32>
    %max3A_167 = arith.maximumf %add3A_164, %max3A_166 : vector<64x4096xf32>
    %reshape3A = vector.shape_cast %max3A_167 : vector<64x4096xf32> to vector<64x16x256xf32>
    %reduce_sum3A = arith.constant dense<0.000000e+00> : vector<64x16xf32>
    %reduce_sum3A_168 = vector.multi_reduction <add>, %reshape3A, %reduce_sum3A [2] : vector<64x16x256xf32> to vector<64x16xf32>
    %mul3A_169 = arith.constant 3.906250e-03 : f32
    %mul3A_170 = vector.broadcast %mul3A_169 : f32 to vector<64x16xf32>
    %mul3A_171 = arith.mulf %reduce_sum3A_168, %mul3A_170 : vector<64x16xf32>
    %dot_general3A_172 = arith.constant dense<0.000000e+00> : vector<64x16xf32>
    %dot_general3A_173 = tpu.matmul %slice3A_5, %mul3A_171, %dot_general3A_172 {dimension_numbers = #tpu.dot_dimension_numbers<[1], [0], [0], [1], [0, 0, 1, 1], [], []>, transpose_lhs_hint = false} : vector<64x64xf32>, vector<64x16xf32>, vector<64x16xf32> -> vector<64x16xf32>
    %add3A_174 = vector.broadcast %slice3A_10 : vector<64x1xf32> to vector<64x16xf32>
    %add3A_175 = arith.addf %dot_general3A_173, %add3A_174 : vector<64x16xf32>
    %transpose3A = tpu.transpose %add3A_175, [1, 0] : vector<64x16xf32> -> vector<16x64xf32>
    %swap3A = arith.constant 0 : index
    %swap3A_176 = arith.constant 0 : index
    %swap3A_177 = vector.load %arg3[%swap3A, %swap3A_176] : memref<16x64xf32, #tpu.memory_space<vmem>>, vector<16x64xf32>
    tpu.vector_store %arg3[%swap3A, %swap3A_176], %transpose3A {strides = array<i32>} : memref<16x64xf32, #tpu.memory_space<vmem>>, vector<16x64xf32>,
    return
  }
  func.func @transform_0(%arg0: i32) -> (i32, i32) {
    %c0_i32 = arith.constant 0 : i32
    %c0_i32_0 = arith.constant 0 : i32
    return %arg0, %c0_i32 : i32, i32
  }
  func.func @transform_1(%arg0: i32) -> (i32, i32) {
    %c0_i32 = arith.constant 0 : i32
    %c0_i32_0 = arith.constant 0 : i32
    %c0_i32_1 = arith.constant 0 : i32
    return %c0_i32, %c0_i32_0 : i32, i32
  }
  func.func @transform_2(%arg0: i32) -> (i32, i32) {
    %c0_i32 = arith.constant 0 : i32
    %c0_i32_0 = arith.constant 0 : i32
    return %arg0, %c0_i32 : i32, i32
  }
}

</mosaic_0001>

<sc_bundles>
// kernel: sparse-core-data-format-call.cloned.1.call-start
scs
called_computation_lowered:
.L_overlay_start_0:
0x0: {  	s1 =	sld [smem:$0x3FD9]  }
0x1: {  	s2 =	sld [smem:$0x3FFE];
	_ =	sdelay $0x1  }
0x2: {  	s3 =	srdreg.scid  }
0x3: {  	s0 =	sand.u32 $0x1, s3  }
0x4: {  	s17 =	sshll.u32 s0, $0xA;
	s1 =	sadd.s32 s2, s1  }
0x5: {  	s1 =	sadd.s32 s1, s17  }
0x6: {  	[smem:$0x3FBD] =	sst s1  }
0x7: {  	_ = 	snop  }
0x8: {  	(tm) =	ssettm $0x1  }
0x9: {  	s18 =	sld [smem:$0x3FFB];
	_ =	sdelay $0x3  }
0xa: {  	_ =	strace s18  }
0xb: {  	s1 =	sld [smem:$0x3FFC];
	_ =	sdelay $0x3  }
0xc: {  	_ =	strace s1  }
0xd: {  	s1 =	sld [smem:$0x3FFD];
	_ =	sdelay $0x3  }
0xe: {  	_ =	strace s1  }
0xf: {  	_ =	strace $0x8FFFFFFF  }
0x10: {  	s19 =	sld [smem:$0x3FDB];
	_ =	sdelay $0x1  }
0x11: {  	s20 =	simm.s32 $_scs_section_size  }
0x12: {  	s4 =	simm.s32 $_size__tile_overlayer_lowered;
	s5 =	simm.s32 $_tile_overlayer_lowered  }
0x13: {  	s23 =	simm.s32 $0x1BFF;
	s22 =	sshll.u32 s5, $0x1;
	s1 =	sadd.s32 s20, s19  }
0x14: {  	s6 =	simm.s32 $0x0;
	s21 =	sshll.u32 s4, $0x1;
	s4 =	sadd.s32 s22, s1  }
0x15: {  	[timem:s6], [sflag:s23] =	dma.local [hbm:s4], s21  }
0x16: {  	_ =	swait.ge [sflag:s23], s21  }
0x17: {  	s2 =	ssub.s32 $0x0, s21;
	[sflag:s23] =	ssyncset.done $0x0  }
0x18: {  	[sflag:s23] =	ssyncadd.s32 s2;
	_ =	sdelay $0x1  }
0x19: {  	s24 =	simm.s32 $0x1B8B  }
0x1a: {  	_ =	swait.ge [sflag:s24], $0x1  }
0x1b: {  	[sflag:s24] =	ssyncset.done $0x0  }
0x1c: {  	s26 =	simm.s32 $0x1B8E;
	s25 =	sld [smem:$0x3FFE];
	[sflag:s24] =	ssyncadd.s32 $0xFFFFFFFF  }
0x1d: {  	s27 =	simm.s32 $execute0_lowered;
	[smem:$0x3FD2] =	sst s26  }
0x1e: {  	s4 =	sshll.u32 s27, $0x1;
	_ =	strace $0x80000046;
	[dreg:$0x1] =	wrdreg $0xFFFFFFFF  }
0x1f: {  	s28 =	simm.s32 $_size_execute0_lowered;
	s1 =	sadd.s32 s1, s4;
	[dreg:$0x0] =	wrdreg $0x0  }
0x20: {  	s4 =	sshll.u32 s28, $0x1;
	[dreg:$0x2] =	wrdreg s1  }
0x21: {  	[dreg:$0x3] =	wrdreg s4  }
0x22: {  	[dreg:$0x4] =	wrdreg $0xC0  }
0x23: {  	_ =	task [dreg:s6], $0x5FFFF  }
0x24: {  	[dreg:$0x1] =	wrdreg $0xFFFFFFFF  }
0x25: {  	[dreg:$0x0] =	wrdreg $0x60  }
0x26: {  	[dreg:$0x2] =	wrdreg s25  }
0x27: {  	[dreg:$0x3] =	wrdreg $0x9  }
0x28: {  	_ =	task.clear_ibuf [dreg:s6], $0x4FFFF;
	_ =	strace $0x90000046  }
0x29: {  	s29 =	simm.s32 $0x9;
	_ =	strace $0x80000048  }
0x2a: {  	_ =	swait.ge [sflag:s29], $0x1  }
0x2b: {  	[sflag:s29] =	ssyncadd.s32 $0xFFFFFFFF  }
0x2c: {  	_ =	strace $0x90000048  }
0x2d: {  	_ =	sfence  }
0x2e: {  	s30 =	sld [smem:$0x0];
	_ =	sdelay $0x2  }
0x2f: {  	s31 =	sshll.u32 s3, $0xD;
	s3 =	sshrl.u32 s3, $0x2  }
0x30: {  	s2 =	sand.u32 $0x4000, s31;
	s1 =	sadd.s32 s3, s30  }
0x31: {  	s0 =	sor.u32 s2, s0;
	s1 =	sshll.u32 s1, $0x11  }
0x32: {  	s0 =	sor.u32 s1, s0  }
0x33: {  	s0 =	sadd.s32 $0x8F2B, s0  }
0x34: {  	[sflag:s0] =	ssyncadd.remote.s32 $0x1  }
0x35: {  	_ =	sfence.sel $0xFFFF  }
0x36: {  	[dreg:$0x0] =	wrdreg $0xFFFFFFFF;
	(pc) =	sbr.abs _section_cstart, $3  }
0x37: {  	[dreg:$0x1] =	wrdreg $0xFFFFFFFF  }
0x38: {  	_ =	task.clear_ibuf [dreg:s6], $0x2FFFF;
	_ =	strace $0x9FFFFFFF  }
0x39: {  	(tm) =	ssettm $0x7FFFFFFF  }
tec
execute0_lowered:
.L_overlay_start_1:
0x0: {  	(tag) =	ssettag $0x1  }
0x1: {  	s0 =	stileid.u32  }
0x2: {  	s1 =	srdreg.scid;
	s7 =	rddreg [dreg:$0x0];
	s9 =	simm.s32 $0x2  }
0x3: {  	s17 =	simm.s32 $0x0;
	s2 =	sshll.u32 s0, $0x4;
	s1 =	sshll.u32 s1, $0x8  }
0x4: {  	s10 =	simm.s32 $0x2400;
	s3 =	sshll.u32 s0, $0x7;
	s2 =	sor.u32 s2, s1  }
0x5: {  	s18 =	simm.s32 $0x0;
	s1 =	sand.u32 $0x80, s3;
	s2 =	sand.u32 $0x180, s2  }
0x6: {  	s16 =	simm.s32 $0x0;
	s3 =	ssub.s32 $0x100, s1;
	s4 =	ssub.s32 $0x800, s2  }
0x7: {  	s19 =	simm.s32 $0x0;
	s5 =	sshrl.u32 s3, $0x8;
	s6 =	sand.u32 $0x180, s4  }
0x8: {  	s3 =	sshrl.u32 s3, $0x7;
	p0 =	sne.s32 s6, $0x0;
	s6 =	simm.s32 $0x1  }
0x9: {  	s8 =	sand.u32 $0x1, s3;
	s4 =	sshrl.u32 s4, $0x9;
	s6 =	simm.s32 @!p0 $0x0  }
0xa: {  	s14 =	simm.s32 $0x0;
	s5 =	sadd.s32 s5, s8;
	s4 =	sadd.s32 s6, s4  }
0xb: {  	s15 =	simm.s32 $0x0;
	s31 =	sshrl.u32 s0, $0x1;
	s6 =	smul.u32 s4, s5  }
.Ltmp0:
0xc: {  	s13 =	smov.u32 s1;
	s11 =	smov.u32 s2;
	(pc) =	sbr.rel .LBB1_1-.Ltmp0, $4  }
0xd: {  	s3 =	rddreg [dreg:$0x1];
	_ =	strace $0x80000047;
	s8 =	sand.u32 $0x3, s31  }
0xe: {  	p0 =	por $0x0, $0x0;
	s5 =	simm.s32 $0x1;
	s6 =	smul.u32 $0x9, s6  }
0xf: {  	s12 =	smov.u32 s8;
	s4 =	sadd.s32 $0x241A00, s7;
	[sflag:s5] =	ssyncpa.u1 $0x0  }
0x10: {  	s7 =	sadd.s32 $0x1A00, s7;
	[sflag:s9] =	ssyncpa.u1 $0x0;
	s9 =	sadd.s32 $0x1, s6  }
.LBB1_4:
0x11: {  	v5 =	vld [tilespmem:s23+$0xFFFFFFD0];
	[tilespmem:s22+$0x2040 ss:$0x81] =	vst.msk $0xffff, v1  }
0x12: {  	v58 =	vld [tilespmem:s23+$0xFFFFFFE0];
	[tilespmem:s22+$0x2850 ss:$0x81] =	vst.msk $0xffff, v2  }
0x13: {  	s24 =	sshra.s32 s24, $0x2;
	v59 =	vld [tilespmem:s23+$0xFFFFFFF0];
	[tilespmem:s22+$0x3060 ss:$0x81] =	vst.msk $0xffff, v3  }
0x14: {  	v60 =	vld [tilespmem:s23+$0x0];
	[tilespmem:s22+$0x0 ss:$0x81] =	vst.msk $0xffff, v0;
	s21 =	sadd.s32 s24, s21  }
0x15: {  	v61 =	vld [tilespmem:s23+$0x10];
	[tilespmem:s21+$0x3870 ss:$0x81] =	vst.msk $0xffff, v4  }
0x16: {  	v62 =	vld [tilespmem:s23+$0x20];
	[tilespmem:s21+$0x810 ss:$0x81] =	vst.msk $0xffff, v5  }
0x17: {  	v63 =	vld [tilespmem:s23+$0xFFFFFFC0];
	s29 =	sand.u32 $0x78, s16;
	s30 =	sshll.u32 s16, $0x2;
	[tilespmem:s21+$0x1020 ss:$0x81] =	vst.msk $0xffff, v58  }
0x18: {  	s18 =	sshll.u32 s18, $0x7;
	s17 =	smul.u32 $0x480, s17;
	s23 =	sand.u32 $0x200, s30;
	[tilespmem:s21+$0x1830 ss:$0x81] =	vst.msk $0xffff, v59  }
0x19: {  	s19 =	sshll.u32 s19, $0x7;
	s18 =	sand.u32 $0x180, s18;
	s22 =	sor.u32 s29, s23;
	[tilespmem:s21+$0x2040 ss:$0x81] =	vst.msk $0xffff, v60  }
0x1a: {  	s31 =	sand.u32 $0x7, s16;
	s19 =	sadd.s32 s7, s19;
	s18 =	sor.u32 s18, s22;
	[tilespmem:s21+$0x2850 ss:$0x81] =	vst.msk $0xffff, v61  }
0x1b: {  	s16 =	sshll.u32 s31, $0x12;
	s17 =	sadd.s32 s17, s19;
	s18 =	sshrl.u32 s18, $0x3;
	[tilespmem:s21+$0x3060 ss:$0x81] =	vst.msk $0xffff, v62  }
0x1c: {  	s16 =	sor.u32 $0x80, s16;
	[tilespmem:s21+$0x0 ss:$0x81] =	vst.msk $0xffff, v63;
	s17 =	sadd.s32 s18, s17  }
0x1d: {  	[hbm4b:s17+s16] =	stream.strided.scatter [tilespmem:s20], [sflag:$0x2], $0x4000, s10, s16, $0x20;
	[tilespmem:$0x10100] =	vst v63  }
.LBB1_5:
0x1e: {  	s20 =	sadd.s32 $0x200, s11  }
0x1f: {  	s16 =	sadd.s32 $0x4, s12;
	s21 =	smov.u32 s12;
	p2 =	sgt.s32 s20, $0x7FF  }
0x20: {  	s21 =	smov.u32 @p2 s16  }
0x21: {  	s22 =	smov.u32 s13;
	s16 =	sadd.s32 $0x100, s13;
	p3 =	sgt.s32 s21, $0x3  }
0x22: {  	s22 =	smov.u32 @p3 s16  }
0x23: {  	s16 =	simm.s32 $0x1;
	p4 =	sgt.s32 s22, $0xFF  }
0x24: {  	s16 =	simm.s32 @!p4 $0x0  }
0x25: {  	p1 =	slt.u32 s15, $0x2;
	s24 =	sadd.s32 s16, s14  }
0x26: {  	s17 =	smov.u32 s11;
	s20 =	smov.u32 @p2 s2;
	p2 =	sgt.s32 s24, $0x8  }
0x27: {  	s23 =	simm.s32 @!p1 $0x2;
	s24 =	simm.s32 @p2 $0x0;
	p2 =	sne.s32 s15, s9  }
.Ltmp1:
0x28: {  	s18 =	smov.u32 s12;
	_ =	swait.ge @!p1 [sflag:s23], $0x4000;
	(pc) =	sbr.rel @!p2 .LBB1_6-.Ltmp1, $4  }
0x29: {  	s19 =	smov.u32 s14;
	p0 =	por !p0, !p0;
	[sflag:s23] =	ssyncset.done @!p1 $0x0  }
0x2a: {  	s11 =	smov.u32 s20;
	s21 =	smov.u32 @p3 s8;
	[sflag:s23] =	ssyncadd.s32 @!p1 $0xFFFFC000  }
0x2b: {  	s12 =	smov.u32 s21;
	s22 =	smov.u32 @p4 s1;
	s16 =	smov.u32 s13  }
0x2c: {  	s13 =	smov.u32 s22;
	s15 =	sadd.s32 $0x1, s15;
	s14 =	smov.u32 s24  }
.LBB1_1:
0x2d: {  	p1 =	sge.u32 s15, s6  }
0x2e: {  	s31 =	sadd.s32 $0xFFFFFFFF, s15;
	s20 =	sxor.u32 @!p1 $0xFFFFFFFF, s15;
	s21 =	sshll.u32 @!p1 s12, $0x7  }
0x2f: {  	s22 =	sand.u32 @!p1 $0x78, s11;
	s23 =	sshll.u32 @!p1 s11, $0x2;
	s24 =	sshrl.u32 @!p1 s11, $0x1  }
0x30: {  	s21 =	sand.u32 @!p1 $0x180, s21;
	s20 =	sshll.u32 @!p1 s20, $0xE;
	s23 =	sand.u32 @!p1 $0x600, s23  }
0x31: {  	s24 =	sand.u32 @!p1 $0x300, s24;
	s21 =	sor.u32 @!p1 s21, s22;
	s22 =	sshll.u32 @!p1 s14, $0x12  }
0x32: {  	s21 =	sor.u32 @!p1 s23, s21;
	s23 =	sshll.u32 @!p1 s13, $0xA;
	s22 =	sadd.s32 @!p1 s4, s22  }
0x33: {  	s20 =	sand.u32 @!p1 $0x4000, s20;
	s22 =	sadd.s32 @!p1 s23, s22;
	s23 =	sand.u32 @!p1 $0x7, s11  }
0x34: {  	s21 =	sshrl.u32 @!p1 s21, $0x3;
	s22 =	sadd.s32 @!p1 s24, s22;
	s23 =	sshll.u32 @!p1 s23, $0x12  }
0x35: {  	s21 =	sadd.s32 @!p1 s21, s22;
	s22 =	sor.u32 @!p1 $0x80, s23;
	s23 =	simm.s32 @!p1 $0x2000  }
0x36: {  	[tilespmem:s20], [sflag:$0x1] =	stream.strided.gather @!p1 [hbm4b:s21+s22], $0x4000, s23, s22, $0x38;
	[tilespmem:$0x10100] =	vst v63  }
0x37: {  	p1 =	sge.u32 s31, s6  }
.Ltmp2:
0x38: {  	_ = 	snop;
	(pc) =	sbr.rel @p1 .LBB1_5-.Ltmp2, $1  }
0x39: {  	_ =	sdelay $0x3  }
0x3a: {  	s20 =	simm.s32 $0x1  }
0x3b: {  	_ =	swait.ge [sflag:s5], $0x4000;
	s20 =	simm.s32 @!p0 $0x0  }
0x3c: {  	[sflag:s5] =	ssyncset.done $0x0;
	s21 =	sshll.u32 s20, $0xE  }
0x3d: {  	[sflag:s5] =	ssyncadd.s32 $0xFFFFC000;
	s23 =	sor.u32 $0x40, s21  }
0x3e: {  	s20 =	smul.u32 $0x10200, s20;
	v0 =	vld [tilespmem:s23+$0x30]  }
0x3f: {  	v3 =	vld [tilespmem:s23+$0xFFFFFFD0]  }
0x40: {  	s20 =	sshrl.u32 s20, $0x2;
	v4 =	vld [tilespmem:s23+$0xFFFFFFE0]  }
0x41: {  	v5 =	vld [tilespmem:s23+$0xFFFFFFF0];
	s21 =	sor.u32 $0x8000, s20  }
0x42: {  	s31 =	sand.u32 $0x1, s15;
	v1 =	vld [tilespmem:s23+$0x0];
	s22 =	sadd.s32 $0x0, s21  }
0x43: {  	v2 =	vld [tilespmem:s23+$0x10];
	s20 =	smul.u32 $0x10200, s31;
	[tilespmem:s22+$0x3870 ss:$0x81] =	vst.msk $0xffff, v0  }
0x44: {  	[tilespmem:s22+$0x810 ss:$0x81] =	vst.msk $0xffff, v3;
	v3 =	vld [tilespmem:s23+$0x20]  }
0x45: {  	s20 =	sshrl.u32 s20, $0x2;
	v0 =	vld [tilespmem:s23+$0xFFFFFFC0];
	[tilespmem:s22+$0x1020 ss:$0x81] =	vst.msk $0xffff, v4;
	s23 =	sadd.s32 $0x80, s23  }
0x46: {  	s24 =	simm.s32 $0x4;
	s25 =	simm.s32 $0x8;
	s20 =	sor.u32 $0x8000, s20;
	[tilespmem:s22+$0x1830 ss:$0x81] =	vst.msk $0xffff, v5;
	v4 =	vld [tilespmem:s23+$0x30]  }
.LBB1_3:
0x47: {  	p1 =	sne.s32 s25, $0x1FC;
	v5 =	vld [tilespmem:s23+$0xFFFFFFD0];
	[tilespmem:s22+$0x2040 ss:$0x81] =	vst.msk $0xffff, v1  }
0x48: {  	v6 =	vld [tilespmem:s23+$0xFFFFFFE0];
	[tilespmem:s22+$0x2850 ss:$0x81] =	vst.msk $0xffff, v2  }
0x49: {  	s26 =	sshra.s32 s24, $0x2;
	s24 =	smov.u32 s25;
	v7 =	vld [tilespmem:s23+$0xFFFFFFF0];
	[tilespmem:s22+$0x3060 ss:$0x81] =	vst.msk $0xffff, v3  }
.Ltmp3:
0x4a: {  	v1 =	vld [tilespmem:s23+$0x0];
	[tilespmem:s22+$0x0 ss:$0x81] =	vst.msk $0xffff, v0;
	s22 =	sadd.s32 s26, s21;
	(pc) =	sbr.rel @p1 .LBB1_3-.Ltmp3, $4  }
0x4b: {  	v2 =	vld [tilespmem:s23+$0x10];
	[tilespmem:s22+$0x3870 ss:$0x81] =	vst.msk $0xffff, v4  }
0x4c: {  	[tilespmem:s22+$0x810 ss:$0x81] =	vst.msk $0xffff, v5;
	v3 =	vld [tilespmem:s23+$0x20]  }
0x4d: {  	v0 =	vld [tilespmem:s23+$0xFFFFFFC0];
	[tilespmem:s22+$0x1020 ss:$0x81] =	vst.msk $0xffff, v6;
	s23 =	sadd.s32 $0x80, s23  }
0x4e: {  	s25 =	sadd.s32 $0x4, s25;
	v4 =	vld [tilespmem:s23+$0x30];
	[tilespmem:s22+$0x1830 ss:$0x81] =	vst.msk $0xffff, v7  }
.Ltmp4:
0x4f: {  	_ = 	snop;
	(pc) =	sbr.rel .LBB1_4-.Ltmp4, $1  }
0x50: {  	_ =	sdelay $0x3  }
.LBB1_6:
0x51: {  	_ =	sfence.sel $0x180000  }
0x52: {  	s1 =	simm.s32 $0x1;
	[bflag:$0x0] =	sbarrier.arrive $0xFFFF  }
0x53: {  	s31 =	simm.s32 $0x2;
	[sflag:s1] =	ssyncpa.u1 $0x1  }
0x54: {  	[sflag:s31] =	ssyncpa.u1 $0x1  }
0x55: {  	p0 =	sne.s32 s0, $0x0;
	_ =	strace $0x90000047  }
0x56: {  	s0 =	sadd.s32 @!p0 $0x100000, s3;
	[bflag:$0x2] =	sbarrier.arrive $0xFFFF  }
0x57: {  	[sflag:s0] =	ssyncadd.tile.s32 @!p0 $0x1;
	_ =	shalt  }
.Lfunc_end1:
_tile_overlayer_lowered:
.L_overlay_start_2:
0x58: {  	(tag) =	ssettag $0x2  }
0x59: {  	s0 =	rddreg [dreg:$0x0];
	s2 =	stileid.u32  }
0x5a: {  	s1 =	rddreg [dreg:$0x1];
	p0 =	sne.s32 s2, $0x0  }
0x5b: {  	s3 =	rddreg [dreg:$0x2];
	[bflag:$0x3] =	sbarrier.arrive $0xFFFF;
	s2 =	simm.s32 @!p0 $0x1C01  }
0x5c: {  	[timem:s3], [sflag:s2] =	dma.local @!p0 [hbm:s0], s1  }
0x5d: {  	s0 =	simm.s32 @!p0 $0x1  }
0x5e: {  	_ =	swait.ge @!p0 [sflag:s0], s1  }
0x5f: {  	s1 =	ssub.s32 @!p0 $0x0, s1;
	[sflag:s0] =	ssyncset.done @!p0 $0x0  }
0x60: {  	[sflag:s0] =	ssyncadd.s32 @!p0 s1  }
0x61: {  	[bflag:$0x3] =	sbarrier.arrive $0xFFFF  }
0x62: {  	_ =	shalt  }

</sc_bundles>
